<compile_context>
chip_gen: v7x
topology: tpu7x:2x2x1
jax: 0.10.2.dev20260603
libtpu: 0.0.44.dev20260713+nightly
codegen_flags: <defaults>
</compile_context>

<pallas_src>
import functools

import jax
import jax.numpy as jnp
from jax.experimental import pallas as pl

_PREC = jax.lax.Precision.DEFAULT


def _mm_body(a_ref, w_ref, b_ref, o_ref, *, relu):
    acc = jax.lax.dot_general(
        a_ref[...], w_ref[...], (((1,), (0,)), ((), ())),
        precision=_PREC, preferred_element_type=jnp.float32)
    acc = acc + b_ref[...]
    if relu:
        acc = jnp.maximum(acc, 0.0)
    o_ref[...] = acc


def _mm(a, w, b, relu=False, block_m=512):
    M, K = a.shape
    N = w.shape[1]
    assert M % block_m == 0, (M, block_m)
    return pl.pallas_call(
        functools.partial(_mm_body, relu=relu),
        grid=(M // block_m,),
        in_specs=[
            pl.BlockSpec((block_m, K), lambda i: (i, 0)),
            pl.BlockSpec((K, N), lambda i: (0, 0)),
            pl.BlockSpec((1, N), lambda i: (0, 0)),
        ],
        out_specs=pl.BlockSpec((block_m, N), lambda i: (i, 0)),
        out_shape=jax.ShapeDtypeStruct((M, N), jnp.float32),
    )(a, w, b.reshape(1, N))


def _vq_body(z_ref, zz_ref, ct_ref, c2_ref, cb_ref, o_ref):
    z = z_ref[...]
    s = jax.lax.dot_general(
        z, ct_ref[...], (((1,), (0,)), ((), ())),
        precision=_PREC, preferred_element_type=jnp.float32)
    d = (zz_ref[...] - 2.0 * s) + c2_ref[...]
    codes = jnp.argmin(d, axis=1)
    bm, K = d.shape
    onehot = (jax.lax.broadcasted_iota(jnp.int32, (bm, K), 1)
              == codes[:, None]).astype(jnp.float32)
    o_ref[...] = jax.lax.dot_general(
        onehot, cb_ref[...], (((1,), (0,)), ((), ())),
        precision=jax.lax.Precision.HIGHEST, preferred_element_type=jnp.float32)


def _vq(z, codebook, block_m=512):
    M, D = z.shape
    K = codebook.shape[0]
    ct = codebook.T
    c2 = jnp.sum(codebook * codebook, axis=1).reshape(1, K)
    zz = jnp.sum(z * z, axis=1, keepdims=True)
    return pl.pallas_call(
        _vq_body,
        grid=(M // block_m,),
        in_specs=[
            pl.BlockSpec((block_m, D), lambda i: (i, 0)),
            pl.BlockSpec((block_m, 1), lambda i: (i, 0)),
            pl.BlockSpec((D, K), lambda i: (0, 0)),
            pl.BlockSpec((1, K), lambda i: (0, 0)),
            pl.BlockSpec((K, D), lambda i: (0, 0)),
        ],
        out_specs=pl.BlockSpec((block_m, D), lambda i: (i, 0)),
        out_shape=jax.ShapeDtypeStruct((M, D), jnp.float32),
    )(z, zz, ct, c2, codebook)


def _im2col_s2(img, kh=4, kw=4):
    B, Hp, Wp, C = img.shape
    Ho = (Hp - kh) // 2 + 1
    Wo = (Wp - kw) // 2 + 1
    taps = [img[:, ti:ti + 2 * Ho - 1:2, tj:tj + 2 * Wo - 1:2, :]
            for ti in range(kh) for tj in range(kw)]
    p = jnp.stack(taps, axis=3)
    return p.reshape(B * Ho * Wo, kh * kw * C)


def kernel(x, enc_w1, enc_b1, enc_w2, enc_b2, codebook,
           dec_w1, dec_b1, dec_w2, dec_b2):
    B, Cin, H, W = x.shape
    hidden = enc_w1.shape[0]
    D = enc_w2.shape[0]
    H1, W1 = H // 2, W // 2
    H2, W2 = H1 // 2, W1 // 2

    xp = jnp.pad(jnp.transpose(x, (0, 2, 3, 1)),
                 ((0, 0), (1, 1), (1, 1), (0, 0)))
    p1 = _im2col_s2(xp)
    w1 = enc_w1.transpose(2, 3, 1, 0).reshape(16 * Cin, hidden)
    h = _mm(p1, w1, enc_b1, relu=True)

    hp = jnp.pad(h.reshape(B, H1, W1, hidden),
                 ((0, 0), (1, 1), (1, 1), (0, 0)))
    p2 = _im2col_s2(hp)
    w2 = enc_w2.transpose(2, 3, 1, 0).reshape(16 * hidden, D)
    z_e = _mm(p2, w2, enc_b2)

    z_q = _vq(z_e, codebook)

    zp = jnp.pad(z_q.reshape(B, H2, W2, D),
                 ((0, 0), (1, 1), (1, 1), (0, 0)))
    wd1 = dec_w1.transpose(2, 3, 1, 0)
    g_ph = []
    for a in (0, 1):
        for b in (0, 1):
            taps = [zp[:, a + u:a + u + H2, b + v:b + v + W2, :]
                    for u in (0, 1) for v in (0, 1)]
            pab = jnp.stack(taps, axis=3).reshape(B * H2 * W2, 4 * D)
            wab = wd1[a::2, b::2].reshape(4 * D, hidden)
            g_ph.append(_mm(pab, wab, dec_b1, relu=True))
    g = jnp.stack(g_ph, 0).reshape(2, 2, B, H2, W2, hidden)
    g = g.transpose(2, 3, 0, 4, 1, 5).reshape(B, H1, W1, hidden)

    gp = jnp.pad(g, ((0, 0), (1, 1), (1, 1), (0, 0)))
    wd2 = dec_w2.transpose(2, 3, 1, 0)
    NPAD = 128
    b2p = jnp.pad(dec_b2, (0, NPAD - Cin))
    o_ph = []
    for a in (0, 1):
        for b in (0, 1):
            taps = [gp[:, a + u:a + u + H1, b + v:b + v + W1, :]
                    for u in (0, 1) for v in (0, 1)]
            pab = jnp.stack(taps, axis=3).reshape(B * H1 * W1, 4 * hidden)
            wab = wd2[a::2, b::2].reshape(4 * hidden, Cin)
            wab = jnp.pad(wab, ((0, 0), (0, NPAD - Cin)))
            o_ph.append(_mm(pab, wab, b2p)[:, :Cin])
    out = jnp.stack(o_ph, 0).reshape(2, 2, B, H1, W1, Cin)
    out = out.transpose(2, 3, 0, 4, 1, 5).reshape(B, H, W, Cin)
    return out.transpose(0, 3, 1, 2)

# --- scband reference (transcript-rebuilt; emitter-appended) ---
"""Pipeline reference for scband-hqagraph-71846212927579 (READ-ONLY COPY).

The authoritative reference and input builder live on the scoring server;
editing this copy changes nothing except your own understanding.
"""

import jax, jax.numpy as jnp
import numpy as np


def _conv(x, w, stride, pad):
    return jax.lax.conv_general_dilated(
        x, w, (stride, stride), ((pad, pad), (pad, pad)),
        dimension_numbers=('NCHW', 'OIHW', 'NCHW'))


def _deconv(x, w, stride):
    return jax.lax.conv_transpose(
        x, w, (stride, stride), 'SAME',
        dimension_numbers=('NCHW', 'OIHW', 'NCHW'))


def setup_inputs(seed: int = 0) -> dict:
    key = jax.random.key(seed)
    ks = jax.random.split(key, 8)
    B, Cin, H, W = 8, 3, 224, 224
    hidden, D, K = 192, 64, 512
    x = jax.random.normal(ks[0], (B, Cin, H, W), dtype=jnp.float32)
    enc_w1 = jax.random.normal(ks[1], (hidden, Cin, 4, 4), dtype=jnp.float32) * 0.05
    enc_b1 = jnp.zeros((hidden,), dtype=jnp.float32)
    enc_w2 = jax.random.normal(ks[2], (D, hidden, 4, 4), dtype=jnp.float32) * 0.05
    enc_b2 = jnp.zeros((D,), dtype=jnp.float32)
    codebook = jax.random.normal(ks[3], (K, D), dtype=jnp.float32)
    dec_w1 = jax.random.normal(ks[4], (hidden, D, 4, 4), dtype=jnp.float32) * 0.05
    dec_b1 = jnp.zeros((hidden,), dtype=jnp.float32)
    dec_w2 = jax.random.normal(ks[5], (Cin, hidden, 4, 4), dtype=jnp.float32) * 0.05
    dec_b2 = jnp.zeros((Cin,), dtype=jnp.float32)
    return {"x": x, "enc_w1": enc_w1, "enc_b1": enc_b1, "enc_w2": enc_w2,
            "enc_b2": enc_b2, "codebook": codebook, "dec_w1": dec_w1,
            "dec_b1": dec_b1, "dec_w2": dec_w2, "dec_b2": dec_b2}


def reference(x, enc_w1, enc_b1, enc_w2, enc_b2, codebook,
              dec_w1, dec_b1, dec_w2, dec_b2):
    # encode: two strided convs (downsample x4)
    h = jax.nn.relu(_conv(x, enc_w1, 2, 1) + enc_b1[None, :, None, None])
    z_e = _conv(h, enc_w2, 2, 1) + enc_b2[None, :, None, None]
    # quantize (soft=False): hard nearest-codebook assignment
    B, D, Hs, Ws = z_e.shape
    z = jnp.transpose(z_e, (0, 2, 3, 1)).reshape(-1, D)
    d2 = (jnp.sum(z * z, axis=1, keepdims=True)
          - 2.0 * (z @ codebook.T)
          + jnp.sum(codebook * codebook, axis=1)[None, :])
    codes = jnp.argmin(d2, axis=1)
    z_q = jnp.take(codebook, codes, axis=0).reshape(B, Hs, Ws, D)
    z_q = jnp.transpose(z_q, (0, 3, 1, 2))
    # decode (soft=False): two transposed convs (upsample x4)
    g = jax.nn.relu(_deconv(z_q, dec_w1, 2) + dec_b1[None, :, None, None])
    out = _deconv(g, dec_w2, 2) + dec_b2[None, :, None, None]
    return out

if __name__ == "__main__":
    import jax
    _d = setup_inputs()
    print(jax.jit(kernel)(*tuple(_d.values())))

</pallas_src>

<mosaic_0001>
module attributes {stable_mosaic.version = 14 : i64} {
  func.func @_mm_body(%arg0: i32, %arg1: memref<512x48xf32, #tpu.memory_space<vmem>>, %arg2: memref<48x192xf32, #tpu.memory_space<vmem>>, %arg3: memref<1x192xf32, #tpu.memory_space<vmem>>, %arg4: memref<512x192xf32, #tpu.memory_space<vmem>>) attributes {dimension_semantics = [#tpu.dimension_semantics<arbitrary>], iteration_bounds = array<i64: 196>, scalar_prefetch = 0 : i64, scratch_operands = 0 : i64, tpu.core_type = #tpu.core_type<tc>, window_params = [{transform_indices = @transform_0, window_bounds = array<i64: 512, 48>}, {pipeline_mode = #tpu.pipeline_mode<synchronous>, transform_indices = @transform_1, window_bounds = array<i64: 48, 192>}, {pipeline_mode = #tpu.pipeline_mode<synchronous>, transform_indices = @transform_2, window_bounds = array<i64: 1, 192>}, {transform_indices = @transform_3, window_bounds = array<i64: 512, 192>}]} {
    %get3A = arith.constant 0 : index
    %get3A_0 = arith.constant 0 : index
    %get3A_1 = vector.load %arg1[%get3A, %get3A_0] : memref<512x48xf32, #tpu.memory_space<vmem>>, vector<512x48xf32>
    %get3A_2 = arith.constant 0 : index
    %get3A_3 = arith.constant 0 : index
    %get3A_4 = vector.load %arg2[%get3A_2, %get3A_3] : memref<48x192xf32, #tpu.memory_space<vmem>>, vector<48x192xf32>
    %dot_general3A = arith.constant dense<0.000000e+00> : vector<512x192xf32>
    %dot_general3A_5 = tpu.matmul %get3A_1, %get3A_4, %dot_general3A {dimension_numbers = #tpu.dot_dimension_numbers<[1], [0], [0], [1], [0, 0, 1, 1], [], []>, transpose_lhs_hint = false} : vector<512x48xf32>, vector<48x192xf32>, vector<512x192xf32> -> vector<512x192xf32>
    %get3A_6 = arith.constant 0 : index
    %get3A_7 = arith.constant 0 : index
    %get3A_8 = vector.load %arg3[%get3A_6, %get3A_7] : memref<1x192xf32, #tpu.memory_space<vmem>>, vector<1x192xf32>
    %add3A = vector.broadcast %get3A_8 : vector<1x192xf32> to vector<512x192xf32>
    %add3A_9 = arith.addf %dot_general3A_5, %add3A : vector<512x192xf32>
    %max3A = arith.constant 0.000000e+00 : f32
    %max3A_10 = vector.broadcast %max3A : f32 to vector<512x192xf32>
    %max3A_11 = arith.maximumf %add3A_9, %max3A_10 : vector<512x192xf32>
    %swap3A = arith.constant 0 : index
    %swap3A_12 = arith.constant 0 : index
    %swap3A_13 = vector.load %arg4[%swap3A, %swap3A_12] : memref<512x192xf32, #tpu.memory_space<vmem>>, vector<512x192xf32>
    tpu.vector_store %arg4[%swap3A, %swap3A_12], %max3A_11 {strides = array<i32>} : memref<512x192xf32, #tpu.memory_space<vmem>>, vector<512x192xf32>,
    return
  }
  func.func @transform_0(%arg0: i32) -> (i32, i32) {
    %c0_i32 = arith.constant 0 : i32
    %c0_i32_0 = arith.constant 0 : i32
    return %arg0, %c0_i32 : i32, i32
  }
  func.func @transform_1(%arg0: i32) -> (i32, i32) {
    %c0_i32 = arith.constant 0 : i32
    %c0_i32_0 = arith.constant 0 : i32
    %c0_i32_1 = arith.constant 0 : i32
    return %c0_i32, %c0_i32_0 : i32, i32
  }
  func.func @transform_2(%arg0: i32) -> (i32, i32) {
    %c0_i32 = arith.constant 0 : i32
    %c0_i32_0 = arith.constant 0 : i32
    %c0_i32_1 = arith.constant 0 : i32
    return %c0_i32, %c0_i32_0 : i32, i32
  }
  func.func @transform_3(%arg0: i32) -> (i32, i32) {
    %c0_i32 = arith.constant 0 : i32
    %c0_i32_0 = arith.constant 0 : i32
    return %arg0, %c0_i32 : i32, i32
  }
}

module attributes {stable_mosaic.version = 14 : i64} {
  func.func @_mm_body(%arg0: i32, %arg1: memref<512x3072xf32, #tpu.memory_space<vmem>>, %arg2: memref<3072x64xf32, #tpu.memory_space<vmem>>, %arg3: memref<1x64xf32, #tpu.memory_space<vmem>>, %arg4: memref<512x64xf32, #tpu.memory_space<vmem>>) attributes {dimension_semantics = [#tpu.dimension_semantics<arbitrary>], iteration_bounds = array<i64: 49>, scalar_prefetch = 0 : i64, scratch_operands = 0 : i64, tpu.core_type = #tpu.core_type<tc>, window_params = [{transform_indices = @transform_0, window_bounds = array<i64: 512, 3072>}, {pipeline_mode = #tpu.pipeline_mode<synchronous>, transform_indices = @transform_1, window_bounds = array<i64: 3072, 64>}, {pipeline_mode = #tpu.pipeline_mode<synchronous>, transform_indices = @transform_2, window_bounds = array<i64: 1, 64>}, {transform_indices = @transform_3, window_bounds = array<i64: 512, 64>}]} {
    %get3A = arith.constant 0 : index
    %get3A_0 = arith.constant 0 : index
    %get3A_1 = vector.load %arg1[%get3A, %get3A_0] : memref<512x3072xf32, #tpu.memory_space<vmem>>, vector<512x3072xf32>
    %get3A_2 = arith.constant 0 : index
    %get3A_3 = arith.constant 0 : index
    %get3A_4 = vector.load %arg2[%get3A_2, %get3A_3] : memref<3072x64xf32, #tpu.memory_space<vmem>>, vector<3072x64xf32>
    %dot_general3A = arith.constant dense<0.000000e+00> : vector<512x64xf32>
    %dot_general3A_5 = tpu.matmul %get3A_1, %get3A_4, %dot_general3A {dimension_numbers = #tpu.dot_dimension_numbers<[1], [0], [0], [1], [0, 0, 1, 1], [], []>, transpose_lhs_hint = false} : vector<512x3072xf32>, vector<3072x64xf32>, vector<512x64xf32> -> vector<512x64xf32>
    %get3A_6 = arith.constant 0 : index
    %get3A_7 = arith.constant 0 : index
    %get3A_8 = vector.load %arg3[%get3A_6, %get3A_7] : memref<1x64xf32, #tpu.memory_space<vmem>>, vector<1x64xf32>
    %add3A = vector.broadcast %get3A_8 : vector<1x64xf32> to vector<512x64xf32>
    %add3A_9 = arith.addf %dot_general3A_5, %add3A : vector<512x64xf32>
    %swap3A = arith.constant 0 : index
    %swap3A_10 = arith.constant 0 : index
    %swap3A_11 = vector.load %arg4[%swap3A, %swap3A_10] : memref<512x64xf32, #tpu.memory_space<vmem>>, vector<512x64xf32>
    tpu.vector_store %arg4[%swap3A, %swap3A_10], %add3A_9 {strides = array<i32>} : memref<512x64xf32, #tpu.memory_space<vmem>>, vector<512x64xf32>,
    return
  }
  func.func @transform_0(%arg0: i32) -> (i32, i32) {
    %c0_i32 = arith.constant 0 : i32
    %c0_i32_0 = arith.constant 0 : i32
    return %arg0, %c0_i32 : i32, i32
  }
  func.func @transform_1(%arg0: i32) -> (i32, i32) {
    %c0_i32 = arith.constant 0 : i32
    %c0_i32_0 = arith.constant 0 : i32
    %c0_i32_1 = arith.constant 0 : i32
    return %c0_i32, %c0_i32_0 : i32, i32
  }
  func.func @transform_2(%arg0: i32) -> (i32, i32) {
    %c0_i32 = arith.constant 0 : i32
    %c0_i32_0 = arith.constant 0 : i32
    %c0_i32_1 = arith.constant 0 : i32
    return %c0_i32, %c0_i32_0 : i32, i32
  }
  func.func @transform_3(%arg0: i32) -> (i32, i32) {
    %c0_i32 = arith.constant 0 : i32
    %c0_i32_0 = arith.constant 0 : i32
    return %arg0, %c0_i32 : i32, i32
  }
}

module attributes {stable_mosaic.version = 14 : i64} {
  func.func @_vq_body(%arg0: i32, %arg1: memref<512x64xf32, #tpu.memory_space<vmem>>, %arg2: memref<512x1xf32, #tpu.memory_space<vmem>>, %arg3: memref<64x512xf32, #tpu.memory_space<vmem>>, %arg4: memref<1x512xf32, #tpu.memory_space<vmem>>, %arg5: memref<512x64xf32, #tpu.memory_space<vmem>>, %arg6: memref<512x64xf32, #tpu.memory_space<vmem>>) attributes {dimension_semantics = [#tpu.dimension_semantics<arbitrary>], iteration_bounds = array<i64: 49>, scalar_prefetch = 0 : i64, scratch_operands = 0 : i64, tpu.core_type = #tpu.core_type<tc>, window_params = [{transform_indices = @transform_0, window_bounds = array<i64: 512, 64>}, {transform_indices = @transform_1, window_bounds = array<i64: 512, 1>}, {pipeline_mode = #tpu.pipeline_mode<synchronous>, transform_indices = @transform_2, window_bounds = array<i64: 64, 512>}, {pipeline_mode = #tpu.pipeline_mode<synchronous>, transform_indices = @transform_3, window_bounds = array<i64: 1, 512>}, {pipeline_mode = #tpu.pipeline_mode<synchronous>, transform_indices = @transform_4, window_bounds = array<i64: 512, 64>}, {transform_indices = @transform_5, window_bounds = array<i64: 512, 64>}]} {
    %get3A = arith.constant 0 : index
    %get3A_0 = arith.constant 0 : index
    %get3A_1 = vector.load %arg1[%get3A, %get3A_0] : memref<512x64xf32, #tpu.memory_space<vmem>>, vector<512x64xf32>
    %get3A_2 = arith.constant 0 : index
    %get3A_3 = arith.constant 0 : index
    %get3A_4 = vector.load %arg3[%get3A_2, %get3A_3] : memref<64x512xf32, #tpu.memory_space<vmem>>, vector<64x512xf32>
    %dot_general3A = arith.constant dense<0.000000e+00> : vector<512x512xf32>
    %dot_general3A_5 = tpu.matmul %get3A_1, %get3A_4, %dot_general3A {dimension_numbers = #tpu.dot_dimension_numbers<[1], [0], [0], [1], [0, 0, 1, 1], [], []>, transpose_lhs_hint = false} : vector<512x64xf32>, vector<64x512xf32>, vector<512x512xf32> -> vector<512x512xf32>
    %get3A_6 = arith.constant 0 : index
    %get3A_7 = arith.constant 0 : index
    %get3A_8 = vector.load %arg2[%get3A_6, %get3A_7] : memref<512x1xf32, #tpu.memory_space<vmem>>, vector<512x1xf32>
    %mul3A = arith.constant 2.000000e+00 : f32
    %mul3A_9 = vector.broadcast %mul3A : f32 to vector<512x512xf32>
    %mul3A_10 = arith.mulf %mul3A_9, %dot_general3A_5 : vector<512x512xf32>
    %sub3A = vector.broadcast %get3A_8 : vector<512x1xf32> to vector<512x512xf32>
    %sub3A_11 = arith.subf %sub3A, %mul3A_10 : vector<512x512xf32>
    %get3A_12 = arith.constant 0 : index
    %get3A_13 = arith.constant 0 : index
    %get3A_14 = vector.load %arg4[%get3A_12, %get3A_13] : memref<1x512xf32, #tpu.memory_space<vmem>>, vector<1x512xf32>
    %add3A = vector.broadcast %get3A_14 : vector<1x512xf32> to vector<512x512xf32>
    %add3A_15 = arith.addf %sub3A_11, %add3A : vector<512x512xf32>
    %argmin3A = tpu.reduce_index %add3A_15 {axis = 1 : i32, kind = #tpu.reduction_kind<arg_min>} : vector<512x512xf32> -> vector<512xi32>
    %iota3A = tpu.iota {dimensions = array<i32: 1>} : vector<512x512xi32>
    %broadcast_in_dim3A = vector.shape_cast %argmin3A : vector<512xi32> to vector<512x1xi32>
    %eq3A = vector.broadcast %broadcast_in_dim3A : vector<512x1xi32> to vector<512x512xi32>
    %eq3A_16 = arith.cmpi eq, %iota3A, %eq3A : vector<512x512xi32>
    %convert_element_type3A = arith.extui %eq3A_16 : vector<512x512xi1> to vector<512x512xi32>
    %convert_element_type3A_17 = arith.sitofp %convert_element_type3A : vector<512x512xi32> to vector<512x512xf32>
    %get3A_18 = arith.constant 0 : index
    %get3A_19 = arith.constant 0 : index
    %get3A_20 = vector.load %arg5[%get3A_18, %get3A_19] : memref<512x64xf32, #tpu.memory_space<vmem>>, vector<512x64xf32>
    %dot_general3A_21 = arith.constant dense<0.000000e+00> : vector<512x64xf32>
    %dot_general3A_22 = tpu.matmul %convert_element_type3A_17, %get3A_20, %dot_general3A_21 {dimension_numbers = #tpu.dot_dimension_numbers<[1], [0], [0], [1], [0, 0, 1, 1], [], []>, precision = #tpu.contract_precision<fp32>, transpose_lhs_hint = false} : vector<512x512xf32>, vector<512x64xf32>, vector<512x64xf32> -> vector<512x64xf32>
    %swap3A = arith.constant 0 : index
    %swap3A_23 = arith.constant 0 : index
    %swap3A_24 = vector.load %arg6[%swap3A, %swap3A_23] : memref<512x64xf32, #tpu.memory_space<vmem>>, vector<512x64xf32>
    tpu.vector_store %arg6[%swap3A, %swap3A_23], %dot_general3A_22 {strides = array<i32>} : memref<512x64xf32, #tpu.memory_space<vmem>>, vector<512x64xf32>,
    return
  }
  func.func @transform_0(%arg0: i32) -> (i32, i32) {
    %c0_i32 = arith.constant 0 : i32
    %c0_i32_0 = arith.constant 0 : i32
    return %arg0, %c0_i32 : i32, i32
  }
  func.func @transform_1(%arg0: i32) -> (i32, i32) {
    %c0_i32 = arith.constant 0 : i32
    %c0_i32_0 = arith.constant 0 : i32
    return %arg0, %c0_i32 : i32, i32
  }
  func.func @transform_2(%arg0: i32) -> (i32, i32) {
    %c0_i32 = arith.constant 0 : i32
    %c0_i32_0 = arith.constant 0 : i32
    %c0_i32_1 = arith.constant 0 : i32
    return %c0_i32, %c0_i32_0 : i32, i32
  }
  func.func @transform_3(%arg0: i32) -> (i32, i32) {
    %c0_i32 = arith.constant 0 : i32
    %c0_i32_0 = arith.constant 0 : i32
    %c0_i32_1 = arith.constant 0 : i32
    return %c0_i32, %c0_i32_0 : i32, i32
  }
  func.func @transform_4(%arg0: i32) -> (i32, i32) {
    %c0_i32 = arith.constant 0 : i32
    %c0_i32_0 = arith.constant 0 : i32
    %c0_i32_1 = arith.constant 0 : i32
    return %c0_i32, %c0_i32_0 : i32, i32
  }
  func.func @transform_5(%arg0: i32) -> (i32, i32) {
    %c0_i32 = arith.constant 0 : i32
    %c0_i32_0 = arith.constant 0 : i32
    return %arg0, %c0_i32 : i32, i32
  }
}

module attributes {stable_mosaic.version = 14 : i64} {
  func.func @_mm_body(%arg0: i32, %arg1: memref<512x256xf32, #tpu.memory_space<vmem>>, %arg2: memref<256x192xf32, #tpu.memory_space<vmem>>, %arg3: memref<1x192xf32, #tpu.memory_space<vmem>>, %arg4: memref<512x192xf32, #tpu.memory_space<vmem>>) attributes {dimension_semantics = [#tpu.dimension_semantics<arbitrary>], iteration_bounds = array<i64: 49>, scalar_prefetch = 0 : i64, scratch_operands = 0 : i64, tpu.core_type = #tpu.core_type<tc>, window_params = [{transform_indices = @transform_0, window_bounds = array<i64: 512, 256>}, {pipeline_mode = #tpu.pipeline_mode<synchronous>, transform_indices = @transform_1, window_bounds = array<i64: 256, 192>}, {pipeline_mode = #tpu.pipeline_mode<synchronous>, transform_indices = @transform_2, window_bounds = array<i64: 1, 192>}, {transform_indices = @transform_3, window_bounds = array<i64: 512, 192>}]} {
    %get3A = arith.constant 0 : index
    %get3A_0 = arith.constant 0 : index
    %get3A_1 = vector.load %arg1[%get3A, %get3A_0] : memref<512x256xf32, #tpu.memory_space<vmem>>, vector<512x256xf32>
    %get3A_2 = arith.constant 0 : index
    %get3A_3 = arith.constant 0 : index
    %get3A_4 = vector.load %arg2[%get3A_2, %get3A_3] : memref<256x192xf32, #tpu.memory_space<vmem>>, vector<256x192xf32>
    %dot_general3A = arith.constant dense<0.000000e+00> : vector<512x192xf32>
    %dot_general3A_5 = tpu.matmul %get3A_1, %get3A_4, %dot_general3A {dimension_numbers = #tpu.dot_dimension_numbers<[1], [0], [0], [1], [0, 0, 1, 1], [], []>, transpose_lhs_hint = false} : vector<512x256xf32>, vector<256x192xf32>, vector<512x192xf32> -> vector<512x192xf32>
    %get3A_6 = arith.constant 0 : index
    %get3A_7 = arith.constant 0 : index
    %get3A_8 = vector.load %arg3[%get3A_6, %get3A_7] : memref<1x192xf32, #tpu.memory_space<vmem>>, vector<1x192xf32>
    %add3A = vector.broadcast %get3A_8 : vector<1x192xf32> to vector<512x192xf32>
    %add3A_9 = arith.addf %dot_general3A_5, %add3A : vector<512x192xf32>
    %max3A = arith.constant 0.000000e+00 : f32
    %max3A_10 = vector.broadcast %max3A : f32 to vector<512x192xf32>
    %max3A_11 = arith.maximumf %add3A_9, %max3A_10 : vector<512x192xf32>
    %swap3A = arith.constant 0 : index
    %swap3A_12 = arith.constant 0 : index
    %swap3A_13 = vector.load %arg4[%swap3A, %swap3A_12] : memref<512x192xf32, #tpu.memory_space<vmem>>, vector<512x192xf32>
    tpu.vector_store %arg4[%swap3A, %swap3A_12], %max3A_11 {strides = array<i32>} : memref<512x192xf32, #tpu.memory_space<vmem>>, vector<512x192xf32>,
    return
  }
  func.func @transform_0(%arg0: i32) -> (i32, i32) {
    %c0_i32 = arith.constant 0 : i32
    %c0_i32_0 = arith.constant 0 : i32
    return %arg0, %c0_i32 : i32, i32
  }
  func.func @transform_1(%arg0: i32) -> (i32, i32) {
    %c0_i32 = arith.constant 0 : i32
    %c0_i32_0 = arith.constant 0 : i32
    %c0_i32_1 = arith.constant 0 : i32
    return %c0_i32, %c0_i32_0 : i32, i32
  }
  func.func @transform_2(%arg0: i32) -> (i32, i32) {
    %c0_i32 = arith.constant 0 : i32
    %c0_i32_0 = arith.constant 0 : i32
    %c0_i32_1 = arith.constant 0 : i32
    return %c0_i32, %c0_i32_0 : i32, i32
  }
  func.func @transform_3(%arg0: i32) -> (i32, i32) {
    %c0_i32 = arith.constant 0 : i32
    %c0_i32_0 = arith.constant 0 : i32
    return %arg0, %c0_i32 : i32, i32
  }
}

module attributes {stable_mosaic.version = 14 : i64} {
  func.func @_mm_body(%arg0: i32, %arg1: memref<512x768xf32, #tpu.memory_space<vmem>>, %arg2: memref<768x128xf32, #tpu.memory_space<vmem>>, %arg3: memref<1x128xf32, #tpu.memory_space<vmem>>, %arg4: memref<512x128xf32, #tpu.memory_space<vmem>>) attributes {dimension_semantics = [#tpu.dimension_semantics<arbitrary>], iteration_bounds = array<i64: 196>, scalar_prefetch = 0 : i64, scratch_operands = 0 : i64, tpu.core_type = #tpu.core_type<tc>, window_params = [{transform_indices = @transform_0, window_bounds = array<i64: 512, 768>}, {pipeline_mode = #tpu.pipeline_mode<synchronous>, transform_indices = @transform_1, window_bounds = array<i64: 768, 128>}, {pipeline_mode = #tpu.pipeline_mode<synchronous>, transform_indices = @transform_2, window_bounds = array<i64: 1, 128>}, {transform_indices = @transform_3, window_bounds = array<i64: 512, 128>}]} {
    %get3A = arith.constant 0 : index
    %get3A_0 = arith.constant 0 : index
    %get3A_1 = vector.load %arg1[%get3A, %get3A_0] : memref<512x768xf32, #tpu.memory_space<vmem>>, vector<512x768xf32>
    %get3A_2 = arith.constant 0 : index
    %get3A_3 = arith.constant 0 : index
    %get3A_4 = vector.load %arg2[%get3A_2, %get3A_3] : memref<768x128xf32, #tpu.memory_space<vmem>>, vector<768x128xf32>
    %dot_general3A = arith.constant dense<0.000000e+00> : vector<512x128xf32>
    %dot_general3A_5 = tpu.matmul %get3A_1, %get3A_4, %dot_general3A {dimension_numbers = #tpu.dot_dimension_numbers<[1], [0], [0], [1], [0, 0, 1, 1], [], []>, transpose_lhs_hint = false} : vector<512x768xf32>, vector<768x128xf32>, vector<512x128xf32> -> vector<512x128xf32>
    %get3A_6 = arith.constant 0 : index
    %get3A_7 = arith.constant 0 : index
    %get3A_8 = vector.load %arg3[%get3A_6, %get3A_7] : memref<1x128xf32, #tpu.memory_space<vmem>>, vector<1x128xf32>
    %add3A = vector.broadcast %get3A_8 : vector<1x128xf32> to vector<512x128xf32>
    %add3A_9 = arith.addf %dot_general3A_5, %add3A : vector<512x128xf32>
    %swap3A = arith.constant 0 : index
    %swap3A_10 = arith.constant 0 : index
    %swap3A_11 = vector.load %arg4[%swap3A, %swap3A_10] : memref<512x128xf32, #tpu.memory_space<vmem>>, vector<512x128xf32>
    tpu.vector_store %arg4[%swap3A, %swap3A_10], %add3A_9 {strides = array<i32>} : memref<512x128xf32, #tpu.memory_space<vmem>>, vector<512x128xf32>,
    return
  }
  func.func @transform_0(%arg0: i32) -> (i32, i32) {
    %c0_i32 = arith.constant 0 : i32
    %c0_i32_0 = arith.constant 0 : i32
    return %arg0, %c0_i32 : i32, i32
  }
  func.func @transform_1(%arg0: i32) -> (i32, i32) {
    %c0_i32 = arith.constant 0 : i32
    %c0_i32_0 = arith.constant 0 : i32
    %c0_i32_1 = arith.constant 0 : i32
    return %c0_i32, %c0_i32_0 : i32, i32
  }
  func.func @transform_2(%arg0: i32) -> (i32, i32) {
    %c0_i32 = arith.constant 0 : i32
    %c0_i32_0 = arith.constant 0 : i32
    %c0_i32_1 = arith.constant 0 : i32
    return %c0_i32, %c0_i32_0 : i32, i32
  }
  func.func @transform_3(%arg0: i32) -> (i32, i32) {
    %c0_i32 = arith.constant 0 : i32
    %c0_i32_0 = arith.constant 0 : i32
    return %arg0, %c0_i32 : i32, i32
  }
}

</mosaic_0001>

<sc_bundles>
// kernel: sparse-core-data-format-call.cloned.1.call-start
scs
called_computation_lowered:
.L_overlay_start_0:
0x0: {  	s1 =	sld [smem:$0x3FD9]  }
0x1: {  	s2 =	sld [smem:$0x3FFE];
	_ =	sdelay $0x1  }
0x2: {  	s3 =	srdreg.scid  }
0x3: {  	s0 =	sand.u32 $0x1, s3  }
0x4: {  	s17 =	sshll.u32 s0, $0xA;
	s1 =	sadd.s32 s2, s1  }
0x5: {  	s1 =	sadd.s32 s1, s17  }
0x6: {  	[smem:$0x3FBE] =	sst s1  }
0x7: {  	_ = 	snop  }
0x8: {  	(tm) =	ssettm $0x1  }
0x9: {  	s18 =	sld [smem:$0x3FFB];
	_ =	sdelay $0x3  }
0xa: {  	_ =	strace s18  }
0xb: {  	s1 =	sld [smem:$0x3FFC];
	_ =	sdelay $0x3  }
0xc: {  	_ =	strace s1  }
0xd: {  	s1 =	sld [smem:$0x3FFD];
	_ =	sdelay $0x3  }
0xe: {  	_ =	strace s1  }
0xf: {  	_ =	strace $0x8FFFFFFF  }
0x10: {  	s19 =	sld [smem:$0x3FDB];
	_ =	sdelay $0x1  }
0x11: {  	s20 =	simm.s32 $_scs_section_size  }
0x12: {  	s4 =	simm.s32 $_size__tile_overlayer_lowered;
	s5 =	simm.s32 $_tile_overlayer_lowered  }
0x13: {  	s23 =	simm.s32 $0x1BFF;
	s22 =	sshll.u32 s5, $0x1;
	s1 =	sadd.s32 s20, s19  }
0x14: {  	s6 =	simm.s32 $0x0;
	s21 =	sshll.u32 s4, $0x1;
	s4 =	sadd.s32 s22, s1  }
0x15: {  	[timem:s6], [sflag:s23] =	dma.local [hbm:s4], s21  }
0x16: {  	_ =	swait.ge [sflag:s23], s21  }
0x17: {  	s2 =	ssub.s32 $0x0, s21;
	[sflag:s23] =	ssyncset.done $0x0  }
0x18: {  	[sflag:s23] =	ssyncadd.s32 s2;
	_ =	sdelay $0x1  }
0x19: {  	s24 =	simm.s32 $0x1B8B  }
0x1a: {  	_ =	swait.ge [sflag:s24], $0x1  }
0x1b: {  	[sflag:s24] =	ssyncset.done $0x0  }
0x1c: {  	s26 =	simm.s32 $0x1B8E;
	s25 =	sld [smem:$0x3FFE];
	[sflag:s24] =	ssyncadd.s32 $0xFFFFFFFF  }
0x1d: {  	s27 =	simm.s32 $execute0_lowered;
	[smem:$0x3FD2] =	sst s26  }
0x1e: {  	s4 =	sshll.u32 s27, $0x1;
	_ =	strace $0x80000046;
	[dreg:$0x1] =	wrdreg $0xFFFFFFFF  }
0x1f: {  	s28 =	simm.s32 $_size_execute0_lowered;
	s1 =	sadd.s32 s1, s4;
	[dreg:$0x0] =	wrdreg $0x0  }
0x20: {  	s4 =	sshll.u32 s28, $0x1;
	[dreg:$0x2] =	wrdreg s1  }
0x21: {  	[dreg:$0x3] =	wrdreg s4  }
0x22: {  	[dreg:$0x4] =	wrdreg $0xC0  }
0x23: {  	_ =	task [dreg:s6], $0x5FFFF  }
0x24: {  	[dreg:$0x1] =	wrdreg $0xFFFFFFFF  }
0x25: {  	[dreg:$0x0] =	wrdreg $0x60  }
0x26: {  	[dreg:$0x2] =	wrdreg s25  }
0x27: {  	[dreg:$0x3] =	wrdreg $0x9  }
0x28: {  	_ =	task.clear_ibuf [dreg:s6], $0x4FFFF;
	_ =	strace $0x90000046  }
0x29: {  	s29 =	simm.s32 $0x9;
	_ =	strace $0x80000048  }
0x2a: {  	_ =	swait.ge [sflag:s29], $0x1  }
0x2b: {  	[sflag:s29] =	ssyncadd.s32 $0xFFFFFFFF  }
0x2c: {  	_ =	strace $0x90000048  }
0x2d: {  	_ =	sfence  }
0x2e: {  	s30 =	sld [smem:$0x0];
	_ =	sdelay $0x2  }
0x2f: {  	s31 =	sshll.u32 s3, $0xD;
	s3 =	sshrl.u32 s3, $0x2  }
0x30: {  	s2 =	sand.u32 $0x4000, s31;
	s1 =	sadd.s32 s3, s30  }
0x31: {  	s0 =	sor.u32 s2, s0;
	s1 =	sshll.u32 s1, $0x11  }
0x32: {  	s0 =	sor.u32 s1, s0  }
0x33: {  	s0 =	sadd.s32 $0x8F2B, s0  }
0x34: {  	[sflag:s0] =	ssyncadd.remote.s32 $0x1  }
0x35: {  	_ =	sfence.sel $0xFFFF  }
0x36: {  	[dreg:$0x0] =	wrdreg $0xFFFFFFFF;
	(pc) =	sbr.abs _section_cstart, $3  }
0x37: {  	[dreg:$0x1] =	wrdreg $0xFFFFFFFF  }
0x38: {  	_ =	task.clear_ibuf [dreg:s6], $0x2FFFF;
	_ =	strace $0x9FFFFFFF  }
0x39: {  	(tm) =	ssettm $0x7FFFFFFF  }
tec
execute0_lowered:
.L_overlay_start_1:
0x0: {  	(tag) =	ssettag $0x1  }
0x1: {  	s8 =	stileid.u32  }
0x2: {  	s0 =	rddreg [dreg:$0x0];
	s4 =	srdreg.scid;
	_ =	strace $0x80000047  }
0x3: {  	s9 =	simm.s32 $0x2;
	s18 =	simm.s32 $0x0;
	p0 =	por $0x0, $0x0  }
0x4: {  	s20 =	simm.s32 $0x0;
	s19 =	simm.s32 $0x0;
	s21 =	simm.s32 $0x0  }
0x5: {  	s22 =	simm.s32 $0x0;
	s2 =	sand.u32 $0x1, s8;
	s1 =	sshrl.u32 s8, $0x1  }
0x6: {  	s12 =	simm.s32 $0x0;
	s3 =	sand.u32 $0x1, s1;
	s27 =	ssub.s32 $0x2, s2  }
0x7: {  	s14 =	simm.s32 $0x0;
	s5 =	sshrl.u32 s27, $0x1;
	s6 =	ssub.s32 $0x2, s3  }
0x8: {  	s1 =	sand.u32 $0x1, s27;
	s7 =	sshrl.u32 s6, $0x1;
	s6 =	sand.u32 $0x1, s6  }
0x9: {  	s17 =	simm.s32 $0x0;
	s1 =	sadd.s32 s1, s5;
	s29 =	sadd.s32 s6, s7  }
0xa: {  	s28 =	simm.s32 $0x0;
	s4 =	sshll.u32 s4, $0x4;
	s1 =	smul.u32 s29, s1  }
.Ltmp0:
0xb: {  	s30 =	sand.u32 $0x10, s4;
	s4 =	sadd.s32 $0x448200, s0;
	(pc) =	sbr.rel .LBB1_1-.Ltmp0, $4  }
0xc: {  	s0 =	sadd.s32 $0x12200, s0;
	s16 =	smov.u32 s2;
	s31 =	sor.u32 s8, s30  }
0xd: {  	[dreg:$0x2] =	wrdreg s0;
	s5 =	simm.s32 $0x1;
	s6 =	smul.u32 $0x31, s1  }
0xe: {  	s15 =	smov.u32 s3;
	s8 =	sshrl.u32 s31, $0x2;
	[sflag:s5] =	ssyncpa.u1 $0x0  }
0xf: {  	s13 =	smov.u32 s8;
	[sflag:s9] =	ssyncpa.u1 $0x0;
	s9 =	sadd.s32 $0x1, s6  }
.LBB1_7:
0x10: {  	s0 =	sadd.s32 $0x8, s12  }
0x11: {  	s1 =	sadd.s32 $0x8, s13;
	s7 =	smov.u32 s13;
	p2 =	sgt.s32 s0, $0x37  }
0x12: {  	s7 =	smov.u32 @p2 s1  }
0x13: {  	s10 =	smov.u32 s14;
	s1 =	sadd.s32 $0x8, s14;
	p3 =	sgt.s32 s7, $0x37  }
0x14: {  	s10 =	smov.u32 @p3 s1  }
0x15: {  	s11 =	smov.u32 s15;
	s1 =	sadd.s32 $0x2, s15;
	p4 =	sgt.s32 s10, $0x7  }
0x16: {  	p1 =	slt.u32 s17, $0x2;
	s23 =	smov.u32 s16;
	s11 =	smov.u32 @p4 s1  }
0x17: {  	s18 =	smov.u32 s12;
	s1 =	sadd.s32 $0x2, s16;
	p5 =	sgt.s32 s11, $0x1  }
0x18: {  	s20 =	smov.u32 s13;
	s19 =	smov.u32 s14;
	s23 =	smov.u32 @p5 s1  }
0x19: {  	s21 =	smov.u32 s15;
	s0 =	simm.s32 @p2 $0x0;
	p2 =	sgt.s32 s23, $0x1  }
0x1a: {  	s22 =	smov.u32 s16;
	s23 =	smov.u32 @p2 s2;
	p2 =	sne.s32 s17, s9  }
.Ltmp1:
0x1b: {  	p0 =	por !p0, !p0;
	s7 =	smov.u32 @p3 s8;
	(pc) =	sbr.rel @!p2 .LBB1_8-.Ltmp1, $4  }
0x1c: {  	s12 =	smov.u32 s0;
	s13 =	smov.u32 s7;
	s1 =	simm.s32 @!p1 $0x2  }
0x1d: {  	s10 =	simm.s32 @p4 $0x0;
	s11 =	smov.u32 @p5 s3;
	_ =	swait.ge @!p1 [sflag:s1], $0x4000  }
0x1e: {  	s14 =	smov.u32 s10;
	s15 =	smov.u32 s11;
	[sflag:s1] =	ssyncset.done @!p1 $0x0  }
0x1f: {  	s17 =	sadd.s32 $0x1, s17;
	[sflag:s1] =	ssyncadd.s32 @!p1 $0xFFFFC000;
	s16 =	smov.u32 s23  }
.LBB1_1:
0x20: {  	p1 =	sge.u32 s17, s6  }
0x21: {  	s0 =	sshll.u32 @!p1 s12, $0x8;
	s1 =	sshll.u32 @!p1 s12, $0x7  }
0x22: {  	s7 =	smul.u32 @!p1 $0x188000, s16;
	s0 =	sand.u32 @!p1 $0xFFFFF800, s0;
	s1 =	sand.u32 @!p1 $0x300, s1  }
0x23: {  	s10 =	smul.u32 @!p1 $0xC4000, s15;
	s0 =	sor.u32 @!p1 s1, s0  }
0x24: {  	s11 =	smul.u32 @!p1 $0x18800, s14;
	s0 =	sshrl.u32 @!p1 s0, $0x8  }
0x25: {  	s1 =	smulhi.u32 @!p1 $0x4924925, s0  }
0x26: {  	s31 =	sadd.s32 $0xFFFFFFFF, s17;
	s24 =	smul.u32 @!p1 $0x700, s13;
	s7 =	sadd.s32 @!p1 s4, s7  }
0x27: {  	s23 =	sxor.u32 @!p1 $0xFFFFFFFF, s17;
	s7 =	sadd.s32 @!p1 s10, s7;
	s1 =	smul.u32 @!p1 $0x38, s1  }
0x28: {  	s10 =	sshll.u32 @!p1 s23, $0xE;
	s23 =	sshll.u32 @!p1 s12, $0x4;
	s7 =	sadd.s32 @!p1 s11, s7  }
0x29: {  	s7 =	sadd.s32 @!p1 s24, s7;
	s0 =	ssub.s32 @!p1 s0, s1;
	s1 =	sand.u32 @!p1 $0x10, s23  }
0x2a: {  	s10 =	sand.u32 @!p1 $0x4000, s10;
	s0 =	sshll.u32 @!p1 s0, $0x5;
	s1 =	sadd.s32 @!p1 s1, s7  }
0x2b: {  	s7 =	simm.s32 @!p1 $0xC4000;
	s0 =	sadd.s32 @!p1 s0, s1;
	s1 =	simm.s32 @!p1 $0x800  }
0x2c: {  	[tilespmem:s10], [sflag:$0x1] =	stream.strided.gather @!p1 [hbm4b:s0+s1], $0x4000, s7, s1, $0x38;
	[tilespmem:$0x10000] =	vst v63  }
0x2d: {  	p1 =	sge.u32 s31, s6  }
.Ltmp2:
0x2e: {  	_ = 	snop;
	(pc) =	sbr.rel @p1 .LBB1_7-.Ltmp2, $1  }
0x2f: {  	_ =	sdelay $0x3  }
0x30: {  	s0 =	simm.s32 $0x1  }
0x31: {  	_ =	swait.ge [sflag:s5], $0x4000;
	s7 =	sshll.u32 s17, $0xE;
	p1 =	por $0x0, $0x0  }
0x32: {  	s29 =	simm.s32 $0x0;
	s30 =	simm.s32 $0x0;
	s0 =	simm.s32 @!p0 $0x0  }
0x33: {  	[sflag:s5] =	ssyncset.done $0x0;
	s26 =	sand.u32 $0x4000, s7;
	s0 =	sshll.u32 s0, $0x10  }
0x34: {  	[sflag:s5] =	ssyncadd.s32 $0xFFFFC000;
	s23 =	sor.u32 $0x8000, s26;
	s1 =	sshrl.u32 s0, $0x2  }
0x35: {  	s24 =	sor.u32 $0x40, s1;
	s0 =	sor.u32 $0x8410, s1;
	s27 =	sadd.s32 $0x8400, s1  }
.LBB1_3:
0x36: {  	v1 =	vld [tilespmem:s24+$0xFFFFFFD0]  }
0x37: {  	v2 =	vld [tilespmem:s24+$0x430]  }
0x38: {  	s1 =	sshll.u32 s30, $0xB;
	v4 =	vld [tilespmem:s24+$0xFFFFFFE0]  }
0x39: {  	v7 =	vld [tilespmem:s24+$0xFFFFFFF0];
	v0 =	vmov s1  }
0x3a: {  	v8 =	vld [tilespmem:s24+$0x0]  }
0x3b: {  	s11 =	sand.u32 $0x300, s28;
	v9 =	vld [tilespmem:s24+$0x10]  }
0x3c: {  	s7 =	sand.u32 $0x80, s28;
	v10 =	vld [tilespmem:s24+$0x20];
	s1 =	sadd.s32 s11, s26  }
0x3d: {  	v11 =	vld [tilespmem:s24+$0x30];
	s1 =	sadd.s32 s7, s1;
	s7 =	simm.s32 $0x1;
	[tilespmem:s0+$0x60] =	vst v2  }
0x3e: {  	s25 =	sshll.u32 s29, $0x2;
	s7 =	simm.s32 @!p1 $0x0;
	[tilespmem:s0+$0xFFFFFC00] =	vst v1;
	v3 =	vld.idx.msk [tilespmem:v0+s1+$0x400 ss:$0x1], $0xffff  }
0x3f: {  	v6 =	vld [tilespmem:s24+$0x3D0];
	s7 =	sshll.u32 s7, $0x9;
	[tilespmem:s0+$0xFFFFFC10] =	vst v4;
	s1 =	sand.u32 $0xFFFFFC00, s25  }
0x40: {  	v5 =	vld [tilespmem:s24+$0x3E0];
	[tilespmem:s0+$0xFFFFFC20] =	vst v7;
	s1 =	sor.u32 s7, s1  }
0x41: {  	[tilespmem:s0+$0xFFFFFC30] =	vst v8;
	v4 =	vld [tilespmem:s24+$0x400];
	s1 =	sshrl.u32 s1, $0x2  }
0x42: {  	[tilespmem:s0+$0xFFFFFC40] =	vst v9;
	v1 =	vld [tilespmem:s24+$0x410];
	s31 =	sadd.s32 s1, s27  }
0x43: {  	[tilespmem:s31+$0x0] =	vst v3;
	v3 =	vld [tilespmem:s24+$0x3F0]  }
0x44: {  	s10 =	simm.s32 $0x100;
	s11 =	simm.s32 $0x80;
	[tilespmem:s0+$0xFFFFFC50] =	vst v10;
	v2 =	vld [tilespmem:s24+$0x420]  }
0x45: {  	v7 =	vld [tilespmem:s24+$0xFFFFFFC0];
	[tilespmem:s0+$0xFFFFFC60] =	vst v11;
	s25 =	smov.u32 s0;
	s7 =	sand.u32 $0x300, s11;
	s1 =	sadd.s32 $0x80, s24  }
.LBB1_4:
0x46: {  	p2 =	sne.s32 s10, $0x380;
	v8 =	vld [tilespmem:s1+$0xFFFFFFD0];
	s11 =	sand.u32 $0x80, s11;
	s7 =	sadd.s32 s7, s26;
	[tilespmem:s25+$0x0] =	vst v6  }
0x47: {  	s7 =	sadd.s32 s11, s7;
	v6 =	vld [tilespmem:s1+$0x430];
	[tilespmem:s25+$0x10] =	vst v5;
	s11 =	smov.u32 s10  }
0x48: {  	v5 =	vld.idx.msk [tilespmem:v0+s7+$0x400 ss:$0x1], $0xffff;
	[tilespmem:s25+$0x20] =	vst v3  }
0x49: {  	v3 =	vld [tilespmem:s1+$0xFFFFFFE0];
	[tilespmem:s25+$0x30] =	vst v4  }
0x4a: {  	v4 =	vld [tilespmem:s1+$0xFFFFFFF0];
	[tilespmem:s25+$0xFFFFFBF0] =	vst v7  }
0x4b: {  	v7 =	vld [tilespmem:s1+$0x0];
	[tilespmem:s25+$0x40] =	vst v1  }
0x4c: {  	v1 =	vld [tilespmem:s1+$0x10];
	[tilespmem:s25+$0x50] =	vst v2;
	s25 =	sadd.s32 $0x800, s25  }
0x4d: {  	s31 =	sadd.s32 $0x800, s31;
	v2 =	vld [tilespmem:s1+$0x20];
	[tilespmem:s25+$0x60] =	vst v6  }
0x4e: {  	v9 =	vld [tilespmem:s1+$0x30];
	[tilespmem:s31+$0x0] =	vst v5  }
0x4f: {  	[tilespmem:s25+$0xFFFFFC00] =	vst v8;
	v6 =	vld [tilespmem:s1+$0x3D0]  }
0x50: {  	[tilespmem:s25+$0xFFFFFC10] =	vst v3;
	v5 =	vld [tilespmem:s1+$0x3E0]  }
.Ltmp3:
0x51: {  	[tilespmem:s25+$0xFFFFFC20] =	vst v4;
	v3 =	vld [tilespmem:s1+$0x3F0];
	(pc) =	sbr.rel @p2 .LBB1_4-.Ltmp3, $4  }
0x52: {  	[tilespmem:s25+$0xFFFFFC30] =	vst v7;
	v4 =	vld [tilespmem:s1+$0x400]  }
0x53: {  	[tilespmem:s25+$0xFFFFFC40] =	vst v1;
	v1 =	vld [tilespmem:s1+$0x410]  }
0x54: {  	[tilespmem:s25+$0xFFFFFC50] =	vst v2;
	v2 =	vld [tilespmem:s1+$0x420]  }
0x55: {  	s10 =	sadd.s32 $0x80, s10;
	s7 =	sand.u32 $0x300, s11;
	v7 =	vld [tilespmem:s1+$0xFFFFFFC0];
	[tilespmem:s25+$0xFFFFFC60] =	vst v9;
	s1 =	sadd.s32 $0x80, s1  }
0x56: {  	[tilespmem:s25+$0x0] =	vst v6  }
0x57: {  	[tilespmem:s25+$0x10] =	vst v5  }
0x58: {  	v49 =	vld [tilespmem:s1+$0x430];
	[tilespmem:s25+$0x20] =	vst v3  }
0x59: {  	v50 =	vld [tilespmem:s1+$0xFFFFFFD0];
	[tilespmem:s25+$0x30] =	vst v4  }
0x5a: {  	v51 =	vld [tilespmem:s1+$0xFFFFFFE0];
	[tilespmem:s25+$0x40] =	vst v1  }
0x5b: {  	v52 =	vld [tilespmem:s1+$0xFFFFFFF0];
	[tilespmem:s25+$0x50] =	vst v2  }
0x5c: {  	v53 =	vld [tilespmem:s1+$0x0];
	[tilespmem:s25+$0xFFFFFBF0] =	vst v7;
	s25 =	sadd.s32 $0x800, s25  }
0x5d: {  	v54 =	vld [tilespmem:s1+$0x10];
	[tilespmem:s25+$0x60] =	vst v49  }
0x5e: {  	v55 =	vld [tilespmem:s1+$0x20];
	[tilespmem:s25+$0xFFFFFC00] =	vst v50  }
0x5f: {  	v56 =	vld [tilespmem:s1+$0x30];
	[tilespmem:s25+$0xFFFFFC10] =	vst v51  }
0x60: {  	v57 =	vld [tilespmem:s1+$0x3D0];
	[tilespmem:s25+$0xFFFFFC20] =	vst v52  }
0x61: {  	v58 =	vld [tilespmem:s1+$0x3E0];
	[tilespmem:s25+$0xFFFFFC30] =	vst v53  }
0x62: {  	v59 =	vld [tilespmem:s1+$0x3F0];
	[tilespmem:s25+$0xFFFFFC40] =	vst v54  }
0x63: {  	v60 =	vld [tilespmem:s1+$0x400];
	[tilespmem:s25+$0xFFFFFC50] =	vst v55  }
0x64: {  	v61 =	vld [tilespmem:s1+$0xFFFFFFC0];
	[tilespmem:s25+$0xFFFFFC60] =	vst v56  }
0x65: {  	s10 =	sand.u32 $0x80, s11;
	s7 =	sadd.s32 s7, s26;
	v62 =	vld [tilespmem:s1+$0x410];
	[tilespmem:s25+$0x0] =	vst v57  }
0x66: {  	v63 =	vld [tilespmem:s1+$0x420];
	s30 =	sadd.s32 $0x1, s30;
	s7 =	sadd.s32 s10, s7;
	[tilespmem:s25+$0x10] =	vst v58  }
0x67: {  	p2 =	sne.s32 s30, $0x8;
	v0 =	vld.idx.msk [tilespmem:v0+s7+$0x400 ss:$0x1], $0xffff;
	[tilespmem:s25+$0x20] =	vst v59  }
.Ltmp4:
0x68: {  	[tilespmem:s25+$0x30] =	vst v60;
	(pc) =	sbr.rel @p2 .LBB1_3-.Ltmp4, $4  }
0x69: {  	[tilespmem:s25+$0xFFFFFBF0] =	vst v61  }
0x6a: {  	[tilespmem:s25+$0x40] =	vst v62  }
0x6b: {  	s31 =	sadd.s32 $0x800, s31;
	s24 =	sadd.s32 $0x800, s24;
	[tilespmem:s25+$0x50] =	vst v63  }
0x6c: {  	s29 =	sadd.s32 $0x80, s29;
	p1 =	por !p1, !p1;
	s0 =	sadd.s32 $0x80, s0;
	[tilespmem:s31+$0x0] =	vst v0  }
0x6d: {  	s0 =	smul.u32 $0x7000, s22  }
0x6e: {  	s10 =	rddreg [dreg:$0x2]  }
0x6f: {  	s1 =	smul.u32 $0xE000, s20;
	s7 =	sshll.u32 s21, $0x8;
	s0 =	sadd.s32 s10, s0  }
.Ltmp5:
0x70: {  	s26 =	sshll.u32 s19, $0x4;
	s0 =	sadd.s32 s7, s0;
	(pc) =	sbr.rel .LBB1_7-.Ltmp5, $4  }
0x71: {  	s27 =	sand.u32 $0x70, s26;
	s0 =	sadd.s32 s1, s0  }
0x72: {  	s29 =	sshll.u32 s18, $0x9;
	s0 =	sadd.s32 s27, s0  }
0x73: {  	s30 =	simm.s32 $0x800;
	s31 =	simm.s32 $0x1000;
	s0 =	sadd.s32 s29, s0  }
0x74: {  	[hbm4b:s0+s30] =	stream.strided.scatter [tilespmem:s23], [sflag:$0x2], $0x4000, s31, s30, $0x38;
	[tilespmem:$0x10000] =	vst v63  }
.LBB1_8:
0x75: {  	_ =	sfence.sel $0x180000  }
0x76: {  	s0 =	simm.s32 $0x1;
	[bflag:$0x0] =	sbarrier.arrive $0xFFFF  }
0x77: {  	s30 =	simm.s32 $0x2;
	[sflag:s0] =	ssyncpa.u1 $0x1  }
0x78: {  	[sflag:s30] =	ssyncpa.u1 $0x1  }
0x79: {  	_ =	strace $0x90000047  }
0x7a: {  	s31 =	stileid.u32;
	[bflag:$0x2] =	sbarrier.arrive $0xFFFF  }
0x7b: {  	p0 =	sne.s32 s31, $0x0;
	s0 =	rddreg [dreg:$0x1]  }
0x7c: {  	s0 =	sadd.s32 @!p0 $0x100000, s0  }
0x7d: {  	[sflag:s0] =	ssyncadd.tile.s32 @!p0 $0x1;
	_ =	shalt  }
.Lfunc_end1:
_tile_overlayer_lowered:
.L_overlay_start_2:
0x7e: {  	(tag) =	ssettag $0x2  }
0x7f: {  	s0 =	rddreg [dreg:$0x0];
	s2 =	stileid.u32  }
0x80: {  	s1 =	rddreg [dreg:$0x1];
	p0 =	sne.s32 s2, $0x0  }
0x81: {  	s3 =	rddreg [dreg:$0x2];
	[bflag:$0x3] =	sbarrier.arrive $0xFFFF;
	s2 =	simm.s32 @!p0 $0x1C01  }
0x82: {  	[timem:s3], [sflag:s2] =	dma.local @!p0 [hbm:s0], s1  }
0x83: {  	s0 =	simm.s32 @!p0 $0x1  }
0x84: {  	_ =	swait.ge @!p0 [sflag:s0], s1  }
0x85: {  	s1 =	ssub.s32 @!p0 $0x0, s1;
	[sflag:s0] =	ssyncset.done @!p0 $0x0  }
0x86: {  	[sflag:s0] =	ssyncadd.s32 @!p0 s1  }
0x87: {  	[bflag:$0x3] =	sbarrier.arrive $0xFFFF  }
0x88: {  	_ =	shalt  }

</sc_bundles>
